<compile_context>
chip_gen: v7x
topology: tpu7x:2x2x1
jax: 0.10.2.dev20260603
libtpu: 0.0.44.dev20260713+nightly
codegen_flags: <defaults>
</compile_context>

<pallas_src>
import functools

import jax
import jax.numpy as jnp
from jax import lax
from jax.experimental import pallas as pl
from jax.experimental.pallas import tpu as pltpu
from jax.experimental.pallas import tpu_sc as plsc

NUM_EMBEDDINGS = 100000
EMBED_DIM = 128
BATCH = 16
SEQ = 2048

_NC = 2
_NS = 16
_NW = _NC * _NS

_B = BATCH * SEQ
_BPW = _B // _NW
_WPR = SEQ // _BPW
_CHUNK = 256
_NCHUNK = _BPW // _CHUNK
_NBUF = 3


def _make_gather():
    mesh = plsc.VectorSubcoreMesh(core_axis_name="c", subcore_axis_name="s")

    @functools.partial(
        pl.kernel,
        mesh=mesh,
        out_type=jax.ShapeDtypeStruct((BATCH, SEQ, EMBED_DIM), jnp.float32),
        scratch_types=[
            pltpu.VMEM((_BPW,), jnp.int32),
            pltpu.VMEM((_NBUF, _CHUNK, EMBED_DIM), jnp.float32),
            pltpu.SemaphoreType.DMA,
            pltpu.SemaphoreType.DMA,
            pltpu.SemaphoreType.DMA,
        ],
    )
    def gather_kernel(idx_hbm, table_hbm, out_hbm, idx_v, rows_v, gsem, osem,
                      isem):
        wid = lax.axis_index("s") * _NC + lax.axis_index("c")
        row = wid // _WPR
        col = (wid % _WPR) * _BPW
        idx_copies = [
            pltpu.async_copy(
                idx_hbm.at[row, pl.ds(col + i * _CHUNK, _CHUNK)],
                idx_v.at[pl.ds(i * _CHUNK, _CHUNK)],
                isem,
            )
            for i in range(_NCHUNK)
        ]

        gathers = [None] * _NCHUNK
        stores = [None] * _NCHUNK
        for i in range(_NCHUNK):
            b = i % _NBUF
            if i >= _NBUF:
                stores[i - _NBUF].wait()
            idx_copies[i].wait()
            gathers[i] = pltpu.async_copy(
                table_hbm.at[idx_v.at[pl.ds(i * _CHUNK, _CHUNK)]],
                rows_v.at[b],
                gsem,
            )
            if i > 0:
                gathers[i - 1].wait()
                stores[i - 1] = pltpu.async_copy(
                    rows_v.at[(i - 1) % _NBUF],
                    out_hbm.at[row, pl.ds(col + (i - 1) * _CHUNK, _CHUNK)],
                    osem,
                )
        gathers[_NCHUNK - 1].wait()
        stores[_NCHUNK - 1] = pltpu.async_copy(
            rows_v.at[(_NCHUNK - 1) % _NBUF],
            out_hbm.at[row, pl.ds(col + (_NCHUNK - 1) * _CHUNK, _CHUNK)],
            osem,
        )
        for i in range(max(0, _NCHUNK - _NBUF), _NCHUNK):
            stores[i].wait()

    return gather_kernel


_gather = _make_gather()


def kernel(input, table):
    return _gather(input.astype(jnp.int32), table)

# --- scband reference (transcript-rebuilt; emitter-appended) ---
"""Pipeline reference for scband-embedding-packable-48988396978526 (READ-ONLY COPY).

The authoritative reference and input builder live on the scoring server;
editing this copy changes nothing except your own understanding.
"""

import jax, jax.numpy as jnp
import numpy as np

NUM_EMBEDDINGS = 100000
EMBED_DIM = 128
BATCH = 16
SEQ = 2048


def setup_inputs(seed: int = 0) -> dict:
    key = jax.random.key(seed)
    k1, k2 = jax.random.split(key)
    input_ids = jax.random.randint(k1, (BATCH, SEQ), 0, NUM_EMBEDDINGS, dtype=jnp.int64 if jax.config.read('jax_enable_x64') else jnp.int32)
    table = jax.random.normal(k2, (NUM_EMBEDDINGS, EMBED_DIM), dtype=jnp.float32)
    return {"input": input_ids, "table": table}


def reference(input, table):
    # EmbeddingPackable with a plain (non-PackedSequence) tensor input simply
    # applies the wrapped embedding layer: a row gather from the table.
    return jnp.take(table, input, axis=0)

if __name__ == "__main__":
    import jax
    _d = setup_inputs()
    print(jax.jit(kernel)(*tuple(_d.values())))

</pallas_src>

<mosaic_0001>
#map = affine_map<(d0, d1) -> (0, 0)>
#map1 = affine_map<(d0, d1) -> (0, 0, 0)>
module attributes {stable_mosaic.version = 14 : i64} {
  func.func @gather_kernel(%arg0: i32, %arg1: i32, %arg2: memref<16x2048xi32, #tpu.memory_space<hbm>>, %arg3: memref<100000x128xf32, #tpu.memory_space<hbm>>, %arg4: memref<16x2048x128xf32, #tpu.memory_space<hbm>>, %arg5: memref<1024xi32, #tpu.memory_space<vmem>>, %arg6: memref<3x256x128xf32, #tpu.memory_space<vmem>>, %arg7: memref<!tpu.dma_semaphore, #tpu.memory_space<semaphore_mem>>, %arg8: memref<!tpu.dma_semaphore, #tpu.memory_space<semaphore_mem>>, %arg9: memref<!tpu.dma_semaphore, #tpu.memory_space<semaphore_mem>>) attributes {dimension_semantics = [#tpu.dimension_semantics<core_parallel>, #tpu.dimension_semantics<subcore_parallel>], iteration_bounds = array<i64: 2, 16>, scalar_prefetch = 0 : i64, scratch_operands = 5 : i64, tpu.core_type = #tpu.core_type<sc_vector_subcore>, window_params = [{transform_indices = #map}, {transform_indices = #map}, {transform_indices = #map1}]} {
    %mul3A = arith.constant 2 : i32
    %mul3A_0 = arith.muli %arg1, %mul3A : i32
    %add3A = arith.addi %mul3A_0, %arg0 : i32
    %jit3A = arith.constant 2 : i32
    %div3A = arith.divsi %add3A, %jit3A : i32
    %sign3A = arith.constant 0 : i32
    %sign3A_1 = arith.cmpi sgt, %add3A, %sign3A : i32
    %sign3A_2 = arith.extui %sign3A_1 : i1 to i32
    %sign3A_3 = arith.constant 0 : i32
    %sign3A_4 = arith.cmpi slt, %add3A, %sign3A_3 : i32
    %sign3A_5 = arith.extui %sign3A_4 : i1 to i32
    %sign3A_6 = arith.subi %sign3A_2, %sign3A_5 : i32
    %sign3A_7 = arith.constant 0 : i32
    %sign3A_8 = arith.cmpi sgt, %jit3A, %sign3A_7 : i32
    %sign3A_9 = arith.extui %sign3A_8 : i1 to i32
    %sign3A_10 = arith.constant 0 : i32
    %sign3A_11 = arith.cmpi slt, %jit3A, %sign3A_10 : i32
    %sign3A_12 = arith.extui %sign3A_11 : i1 to i32
    %sign3A_13 = arith.subi %sign3A_9, %sign3A_12 : i32
    %ne3A = arith.cmpi ne, %sign3A_6, %sign3A_13 : i32
    %rem3A = arith.remsi %add3A, %jit3A : i32
    %ne3A_14 = arith.constant 0 : i32
    %ne3A_15 = arith.cmpi ne, %rem3A, %ne3A_14 : i32
    %and3A = arith.andi %ne3A, %ne3A_15 : i1
    %sub3A = arith.constant 1 : i32
    %sub3A_16 = arith.subi %div3A, %sub3A : i32
    %select_n3A = arith.select %and3A, %sub3A_16, %div3A : i32
    %jit3A_17 = arith.constant 2 : i32
    %eq3A = arith.constant 0 : i32
    %eq3A_18 = arith.cmpi eq, %jit3A_17, %eq3A : i32
    %jit3A_19 = arith.constant 1 : i32
    %select_n3A_20 = arith.select %eq3A_18, %jit3A_19, %jit3A_17 : i32
    %rem3A_21 = arith.remsi %add3A, %select_n3A_20 : i32
    %ne3A_22 = arith.constant 0 : i32
    %ne3A_23 = arith.cmpi ne, %rem3A_21, %ne3A_22 : i32
    %lt3A = arith.constant 0 : i32
    %lt3A_24 = arith.cmpi slt, %rem3A_21, %lt3A : i32
    %lt3A_25 = arith.constant 0 : i32
    %lt3A_26 = arith.cmpi slt, %select_n3A_20, %lt3A_25 : i32
    %ne3A_27 = arith.xori %lt3A_24, %lt3A_26 : i1
    %and3A_28 = arith.andi %ne3A_27, %ne3A_23 : i1
    %add3A_29 = arith.addi %rem3A_21, %select_n3A_20 : i32
    %select_n3A_30 = arith.select %and3A_28, %add3A_29, %rem3A_21 : i32
    %mul3A_31 = arith.constant 1024 : i32
    %mul3A_32 = arith.muli %select_n3A_30, %mul3A_31 : i32
    %add3A_33 = arith.constant 0 : i32
    %add3A_34 = arith.addi %mul3A_32, %add3A_33 : i32
    %dma_start3A = arith.constant 0 : i32
    %dma_start3A_35 = tpu.memref_slice %arg5[%dma_start3A] : memref<1024xi32, #tpu.memory_space<vmem>> -> memref<256xi32, #tpu.memory_space<vmem>>
    %dma_start3A_36 = tpu.memref_slice %arg2[%select_n3A, %add3A_34] : memref<16x2048xi32, #tpu.memory_space<hbm>> -> memref<1x256xi32, #tpu.memory_space<hbm>>
    %dma_start3A_37 = tpu.memref_squeeze %dma_start3A_36 : memref<1x256xi32, #tpu.memory_space<hbm>> -> memref<256xi32, #tpu.memory_space<hbm>>
    %dma_start3A_38 = arith.constant 0 : i32
    %dma_start3A_39 = tpu.memref_slice %arg5[%dma_start3A_38] : memref<1024xi32, #tpu.memory_space<vmem>> -> memref<256xi32, #tpu.memory_space<vmem>>
    %dma_start3A_40 = tpu.memref_slice %arg2[%select_n3A, %add3A_34] : memref<16x2048xi32, #tpu.memory_space<hbm>> -> memref<1x256xi32, #tpu.memory_space<hbm>>
    %dma_start3A_41 = tpu.memref_squeeze %dma_start3A_40 : memref<1x256xi32, #tpu.memory_space<hbm>> -> memref<256xi32, #tpu.memory_space<hbm>>
    tpu.enqueue_dma source(%dma_start3A_41 : memref<256xi32, #tpu.memory_space<hbm>>) target(%dma_start3A_39 : memref<256xi32, #tpu.memory_space<vmem>>) target_semaphore(%arg9 : memref<!tpu.dma_semaphore, #tpu.memory_space<semaphore_mem>>)
    %add3A_42 = arith.constant 256 : i32
    %add3A_43 = arith.addi %mul3A_32, %add3A_42 : i32
    %dma_start3A_44 = arith.constant 256 : i32
    %dma_start3A_45 = tpu.memref_slice %arg5[%dma_start3A_44] : memref<1024xi32, #tpu.memory_space<vmem>> -> memref<256xi32, #tpu.memory_space<vmem>>
    %dma_start3A_46 = tpu.memref_slice %arg2[%select_n3A, %add3A_43] : memref<16x2048xi32, #tpu.memory_space<hbm>> -> memref<1x256xi32, #tpu.memory_space<hbm>>
    %dma_start3A_47 = tpu.memref_squeeze %dma_start3A_46 : memref<1x256xi32, #tpu.memory_space<hbm>> -> memref<256xi32, #tpu.memory_space<hbm>>
    %dma_start3A_48 = arith.constant 256 : i32
    %dma_start3A_49 = tpu.memref_slice %arg5[%dma_start3A_48] : memref<1024xi32, #tpu.memory_space<vmem>> -> memref<256xi32, #tpu.memory_space<vmem>>
    %dma_start3A_50 = tpu.memref_slice %arg2[%select_n3A, %add3A_43] : memref<16x2048xi32, #tpu.memory_space<hbm>> -> memref<1x256xi32, #tpu.memory_space<hbm>>
    %dma_start3A_51 = tpu.memref_squeeze %dma_start3A_50 : memref<1x256xi32, #tpu.memory_space<hbm>> -> memref<256xi32, #tpu.memory_space<hbm>>
    tpu.enqueue_dma source(%dma_start3A_51 : memref<256xi32, #tpu.memory_space<hbm>>) target(%dma_start3A_49 : memref<256xi32, #tpu.memory_space<vmem>>) target_semaphore(%arg9 : memref<!tpu.dma_semaphore, #tpu.memory_space<semaphore_mem>>)
    %add3A_52 = arith.constant 512 : i32
    %add3A_53 = arith.addi %mul3A_32, %add3A_52 : i32
    %dma_start3A_54 = arith.constant 512 : i32
    %dma_start3A_55 = tpu.memref_slice %arg5[%dma_start3A_54] : memref<1024xi32, #tpu.memory_space<vmem>> -> memref<256xi32, #tpu.memory_space<vmem>>
    %dma_start3A_56 = tpu.memref_slice %arg2[%select_n3A, %add3A_53] : memref<16x2048xi32, #tpu.memory_space<hbm>> -> memref<1x256xi32, #tpu.memory_space<hbm>>
    %dma_start3A_57 = tpu.memref_squeeze %dma_start3A_56 : memref<1x256xi32, #tpu.memory_space<hbm>> -> memref<256xi32, #tpu.memory_space<hbm>>
    %dma_start3A_58 = arith.constant 512 : i32
    %dma_start3A_59 = tpu.memref_slice %arg5[%dma_start3A_58] : memref<1024xi32, #tpu.memory_space<vmem>> -> memref<256xi32, #tpu.memory_space<vmem>>
    %dma_start3A_60 = tpu.memref_slice %arg2[%select_n3A, %add3A_53] : memref<16x2048xi32, #tpu.memory_space<hbm>> -> memref<1x256xi32, #tpu.memory_space<hbm>>
    %dma_start3A_61 = tpu.memref_squeeze %dma_start3A_60 : memref<1x256xi32, #tpu.memory_space<hbm>> -> memref<256xi32, #tpu.memory_space<hbm>>
    tpu.enqueue_dma source(%dma_start3A_61 : memref<256xi32, #tpu.memory_space<hbm>>) target(%dma_start3A_59 : memref<256xi32, #tpu.memory_space<vmem>>) target_semaphore(%arg9 : memref<!tpu.dma_semaphore, #tpu.memory_space<semaphore_mem>>)
    %add3A_62 = arith.constant 768 : i32
    %add3A_63 = arith.addi %mul3A_32, %add3A_62 : i32
    %dma_start3A_64 = arith.constant 768 : i32
    %dma_start3A_65 = tpu.memref_slice %arg5[%dma_start3A_64] : memref<1024xi32, #tpu.memory_space<vmem>> -> memref<256xi32, #tpu.memory_space<vmem>>
    %dma_start3A_66 = tpu.memref_slice %arg2[%select_n3A, %add3A_63] : memref<16x2048xi32, #tpu.memory_space<hbm>> -> memref<1x256xi32, #tpu.memory_space<hbm>>
    %dma_start3A_67 = tpu.memref_squeeze %dma_start3A_66 : memref<1x256xi32, #tpu.memory_space<hbm>> -> memref<256xi32, #tpu.memory_space<hbm>>
    %dma_start3A_68 = arith.constant 768 : i32
    %dma_start3A_69 = tpu.memref_slice %arg5[%dma_start3A_68] : memref<1024xi32, #tpu.memory_space<vmem>> -> memref<256xi32, #tpu.memory_space<vmem>>
    %dma_start3A_70 = tpu.memref_slice %arg2[%select_n3A, %add3A_63] : memref<16x2048xi32, #tpu.memory_space<hbm>> -> memref<1x256xi32, #tpu.memory_space<hbm>>
    %dma_start3A_71 = tpu.memref_squeeze %dma_start3A_70 : memref<1x256xi32, #tpu.memory_space<hbm>> -> memref<256xi32, #tpu.memory_space<hbm>>
    tpu.enqueue_dma source(%dma_start3A_71 : memref<256xi32, #tpu.memory_space<hbm>>) target(%dma_start3A_69 : memref<256xi32, #tpu.memory_space<vmem>>) target_semaphore(%arg9 : memref<!tpu.dma_semaphore, #tpu.memory_space<semaphore_mem>>)
    %dma_wait3A = arith.constant 0 : i32
    %dma_wait3A_72 = tpu.memref_slice %arg5[%dma_wait3A] : memref<1024xi32, #tpu.memory_space<vmem>> -> memref<256xi32, #tpu.memory_space<vmem>>
    %dma_wait3A_73 = tpu.memref_slice %arg2[%select_n3A, %add3A_34] : memref<16x2048xi32, #tpu.memory_space<hbm>> -> memref<1x256xi32, #tpu.memory_space<hbm>>
    %dma_wait3A_74 = tpu.memref_squeeze %dma_wait3A_73 : memref<1x256xi32, #tpu.memory_space<hbm>> -> memref<256xi32, #tpu.memory_space<hbm>>
    %dma_wait3A_75 = arith.constant 0 : i32
    %dma_wait3A_76 = tpu.memref_slice %arg5[%dma_wait3A_75] : memref<1024xi32, #tpu.memory_space<vmem>> -> memref<256xi32, #tpu.memory_space<vmem>>
    %dma_wait3A_77 = tpu.memref_slice %arg2[%select_n3A, %add3A_34] : memref<16x2048xi32, #tpu.memory_space<hbm>> -> memref<1x256xi32, #tpu.memory_space<hbm>>
    %dma_wait3A_78 = tpu.memref_squeeze %dma_wait3A_77 : memref<1x256xi32, #tpu.memory_space<hbm>> -> memref<256xi32, #tpu.memory_space<hbm>>
    tpu.wait_dma2 semaphore(%arg9 : memref<!tpu.dma_semaphore, #tpu.memory_space<semaphore_mem>>) src(%dma_wait3A_78 : memref<256xi32, #tpu.memory_space<hbm>>) dst(%dma_wait3A_76 : memref<256xi32, #tpu.memory_space<vmem>>)
    %dma_start3A_79 = arith.constant 0 : i32
    %dma_start3A_80 = arith.constant 0 : i32
    %dma_start3A_81 = arith.constant 0 : i32
    %dma_start3A_82 = tpu.memref_slice %arg6[%dma_start3A_79, %dma_start3A_80, %dma_start3A_81] : memref<3x256x128xf32, #tpu.memory_space<vmem>> -> memref<1x256x128xf32, #tpu.memory_space<vmem>>
    %dma_start3A_83 = tpu.memref_squeeze %dma_start3A_82 : memref<1x256x128xf32, #tpu.memory_space<vmem>> -> memref<256x128xf32, #tpu.memory_space<vmem>>
    %dma_start3A_84 = arith.constant 0 : i32
    %dma_start3A_85 = tpu.memref_slice %arg5[%dma_start3A_84] : memref<1024xi32, #tpu.memory_space<vmem>> -> memref<256xi32, #tpu.memory_space<vmem>>
    %dma_start3A_86 = arith.constant 0 : i32
    %dma_start3A_87 = arith.constant 0 : i32
    %dma_start3A_88 = tpu.memref_slice %arg3[%dma_start3A_86, %dma_start3A_87] : memref<100000x128xf32, #tpu.memory_space<hbm>> -> memref<100000x128xf32, #tpu.memory_space<hbm>>
    tpu.enqueue_indirect_dma source(%dma_start3A_88 : memref<100000x128xf32, #tpu.memory_space<hbm>>) target(%dma_start3A_83 : memref<256x128xf32, #tpu.memory_space<vmem>>) offsets(%dma_start3A_85 : memref<256xi32, #tpu.memory_space<vmem>>) semaphore(%arg7 : memref<!tpu.dma_semaphore, #tpu.memory_space<semaphore_mem>>)
    %dma_wait3A_89 = arith.constant 256 : i32
    %dma_wait3A_90 = tpu.memref_slice %arg5[%dma_wait3A_89] : memref<1024xi32, #tpu.memory_space<vmem>> -> memref<256xi32, #tpu.memory_space<vmem>>
    %dma_wait3A_91 = tpu.memref_slice %arg2[%select_n3A, %add3A_43] : memref<16x2048xi32, #tpu.memory_space<hbm>> -> memref<1x256xi32, #tpu.memory_space<hbm>>
    %dma_wait3A_92 = tpu.memref_squeeze %dma_wait3A_91 : memref<1x256xi32, #tpu.memory_space<hbm>> -> memref<256xi32, #tpu.memory_space<hbm>>
    %dma_wait3A_93 = arith.constant 256 : i32
    %dma_wait3A_94 = tpu.memref_slice %arg5[%dma_wait3A_93] : memref<1024xi32, #tpu.memory_space<vmem>> -> memref<256xi32, #tpu.memory_space<vmem>>
    %dma_wait3A_95 = tpu.memref_slice %arg2[%select_n3A, %add3A_43] : memref<16x2048xi32, #tpu.memory_space<hbm>> -> memref<1x256xi32, #tpu.memory_space<hbm>>
    %dma_wait3A_96 = tpu.memref_squeeze %dma_wait3A_95 : memref<1x256xi32, #tpu.memory_space<hbm>> -> memref<256xi32, #tpu.memory_space<hbm>>
    tpu.wait_dma2 semaphore(%arg9 : memref<!tpu.dma_semaphore, #tpu.memory_space<semaphore_mem>>) src(%dma_wait3A_96 : memref<256xi32, #tpu.memory_space<hbm>>) dst(%dma_wait3A_94 : memref<256xi32, #tpu.memory_space<vmem>>)
    %dma_start3A_97 = arith.constant 1 : i32
    %dma_start3A_98 = arith.constant 0 : i32
    %dma_start3A_99 = arith.constant 0 : i32
    %dma_start3A_100 = tpu.memref_slice %arg6[%dma_start3A_97, %dma_start3A_98, %dma_start3A_99] : memref<3x256x128xf32, #tpu.memory_space<vmem>> -> memref<1x256x128xf32, #tpu.memory_space<vmem>>
    %dma_start3A_101 = tpu.memref_squeeze %dma_start3A_100 : memref<1x256x128xf32, #tpu.memory_space<vmem>> -> memref<256x128xf32, #tpu.memory_space<vmem>>
    %dma_start3A_102 = arith.constant 256 : i32
    %dma_start3A_103 = tpu.memref_slice %arg5[%dma_start3A_102] : memref<1024xi32, #tpu.memory_space<vmem>> -> memref<256xi32, #tpu.memory_space<vmem>>
    %dma_start3A_104 = arith.constant 0 : i32
    %dma_start3A_105 = arith.constant 0 : i32
    %dma_start3A_106 = tpu.memref_slice %arg3[%dma_start3A_104, %dma_start3A_105] : memref<100000x128xf32, #tpu.memory_space<hbm>> -> memref<100000x128xf32, #tpu.memory_space<hbm>>
    tpu.enqueue_indirect_dma source(%dma_start3A_106 : memref<100000x128xf32, #tpu.memory_space<hbm>>) target(%dma_start3A_101 : memref<256x128xf32, #tpu.memory_space<vmem>>) offsets(%dma_start3A_103 : memref<256xi32, #tpu.memory_space<vmem>>) semaphore(%arg7 : memref<!tpu.dma_semaphore, #tpu.memory_space<semaphore_mem>>)
    %dma_wait3A_107 = arith.constant 0 : i32
    %dma_wait3A_108 = arith.constant 0 : i32
    %dma_wait3A_109 = arith.constant 0 : i32
    %dma_wait3A_110 = tpu.memref_slice %arg6[%dma_wait3A_107, %dma_wait3A_108, %dma_wait3A_109] : memref<3x256x128xf32, #tpu.memory_space<vmem>> -> memref<1x256x128xf32, #tpu.memory_space<vmem>>
    %dma_wait3A_111 = tpu.memref_squeeze %dma_wait3A_110 : memref<1x256x128xf32, #tpu.memory_space<vmem>> -> memref<256x128xf32, #tpu.memory_space<vmem>>
    %dma_wait3A_112 = arith.constant 0 : i32
    %dma_wait3A_113 = tpu.memref_slice %arg5[%dma_wait3A_112] : memref<1024xi32, #tpu.memory_space<vmem>> -> memref<256xi32, #tpu.memory_space<vmem>>
    %dma_wait3A_114 = arith.constant 0 : i32
    %dma_wait3A_115 = arith.constant 0 : i32
    %dma_wait3A_116 = tpu.memref_slice %arg3[%dma_wait3A_114, %dma_wait3A_115] : memref<100000x128xf32, #tpu.memory_space<hbm>> -> memref<100000x128xf32, #tpu.memory_space<hbm>>
    tpu.wait_indirect_dma semaphore(%arg7 : memref<!tpu.dma_semaphore, #tpu.memory_space<semaphore_mem>>) src(%dma_wait3A_116 : memref<100000x128xf32, #tpu.memory_space<hbm>>) dst(%dma_wait3A_111 : memref<256x128xf32, #tpu.memory_space<vmem>>)
    %add3A_117 = arith.constant 0 : i32
    %add3A_118 = arith.addi %mul3A_32, %add3A_117 : i32
    %dma_start3A_119 = arith.constant 0 : i32
    %dma_start3A_120 = arith.constant 0 : i32
    %dma_start3A_121 = arith.constant 0 : i32
    %dma_start3A_122 = tpu.memref_slice %arg6[%dma_start3A_119, %dma_start3A_120, %dma_start3A_121] : memref<3x256x128xf32, #tpu.memory_space<vmem>> -> memref<1x256x128xf32, #tpu.memory_space<vmem>>
    %dma_start3A_123 = tpu.memref_squeeze %dma_start3A_122 : memref<1x256x128xf32, #tpu.memory_space<vmem>> -> memref<256x128xf32, #tpu.memory_space<vmem>>
    %dma_start3A_124 = arith.constant 0 : i32
    %dma_start3A_125 = tpu.memref_slice %arg4[%select_n3A, %add3A_118, %dma_start3A_124] : memref<16x2048x128xf32, #tpu.memory_space<hbm>> -> memref<1x256x128xf32, #tpu.memory_space<hbm>>
    %dma_start3A_126 = tpu.memref_squeeze %dma_start3A_125 : memref<1x256x128xf32, #tpu.memory_space<hbm>> -> memref<256x128xf32, #tpu.memory_space<hbm>>
    %dma_start3A_127 = arith.constant 0 : i32
    %dma_start3A_128 = tpu.memref_slice %arg4[%select_n3A, %add3A_118, %dma_start3A_127] : memref<16x2048x128xf32, #tpu.memory_space<hbm>> -> memref<1x256x128xf32, #tpu.memory_space<hbm>>
    %dma_start3A_129 = tpu.memref_squeeze %dma_start3A_128 : memref<1x256x128xf32, #tpu.memory_space<hbm>> -> memref<256x128xf32, #tpu.memory_space<hbm>>
    %dma_start3A_130 = arith.constant 0 : i32
    %dma_start3A_131 = arith.constant 0 : i32
    %dma_start3A_132 = tpu.memref_slice %arg6[%dma_start3A_119, %dma_start3A_130, %dma_start3A_131] : memref<3x256x128xf32, #tpu.memory_space<vmem>> -> memref<1x256x128xf32, #tpu.memory_space<vmem>>
    %dma_start3A_133 = tpu.memref_squeeze %dma_start3A_132 : memref<1x256x128xf32, #tpu.memory_space<vmem>> -> memref<256x128xf32, #tpu.memory_space<vmem>>
    tpu.enqueue_dma source(%dma_start3A_133 : memref<256x128xf32, #tpu.memory_space<vmem>>) target(%dma_start3A_129 : memref<256x128xf32, #tpu.memory_space<hbm>>) target_semaphore(%arg8 : memref<!tpu.dma_semaphore, #tpu.memory_space<semaphore_mem>>)
    %dma_wait3A_134 = arith.constant 512 : i32
    %dma_wait3A_135 = tpu.memref_slice %arg5[%dma_wait3A_134] : memref<1024xi32, #tpu.memory_space<vmem>> -> memref<256xi32, #tpu.memory_space<vmem>>
    %dma_wait3A_136 = tpu.memref_slice %arg2[%select_n3A, %add3A_53] : memref<16x2048xi32, #tpu.memory_space<hbm>> -> memref<1x256xi32, #tpu.memory_space<hbm>>
    %dma_wait3A_137 = tpu.memref_squeeze %dma_wait3A_136 : memref<1x256xi32, #tpu.memory_space<hbm>> -> memref<256xi32, #tpu.memory_space<hbm>>
    %dma_wait3A_138 = arith.constant 512 : i32
    %dma_wait3A_139 = tpu.memref_slice %arg5[%dma_wait3A_138] : memref<1024xi32, #tpu.memory_space<vmem>> -> memref<256xi32, #tpu.memory_space<vmem>>
    %dma_wait3A_140 = tpu.memref_slice %arg2[%select_n3A, %add3A_53] : memref<16x2048xi32, #tpu.memory_space<hbm>> -> memref<1x256xi32, #tpu.memory_space<hbm>>
    %dma_wait3A_141 = tpu.memref_squeeze %dma_wait3A_140 : memref<1x256xi32, #tpu.memory_space<hbm>> -> memref<256xi32, #tpu.memory_space<hbm>>
    tpu.wait_dma2 semaphore(%arg9 : memref<!tpu.dma_semaphore, #tpu.memory_space<semaphore_mem>>) src(%dma_wait3A_141 : memref<256xi32, #tpu.memory_space<hbm>>) dst(%dma_wait3A_139 : memref<256xi32, #tpu.memory_space<vmem>>)
    %dma_start3A_142 = arith.constant 2 : i32
    %dma_start3A_143 = arith.constant 0 : i32
    %dma_start3A_144 = arith.constant 0 : i32
    %dma_start3A_145 = tpu.memref_slice %arg6[%dma_start3A_142, %dma_start3A_143, %dma_start3A_144] : memref<3x256x128xf32, #tpu.memory_space<vmem>> -> memref<1x256x128xf32, #tpu.memory_space<vmem>>
    %dma_start3A_146 = tpu.memref_squeeze %dma_start3A_145 : memref<1x256x128xf32, #tpu.memory_space<vmem>> -> memref<256x128xf32, #tpu.memory_space<vmem>>
    %dma_start3A_147 = arith.constant 512 : i32
    %dma_start3A_148 = tpu.memref_slice %arg5[%dma_start3A_147] : memref<1024xi32, #tpu.memory_space<vmem>> -> memref<256xi32, #tpu.memory_space<vmem>>
    %dma_start3A_149 = arith.constant 0 : i32
    %dma_start3A_150 = arith.constant 0 : i32
    %dma_start3A_151 = tpu.memref_slice %arg3[%dma_start3A_149, %dma_start3A_150] : memref<100000x128xf32, #tpu.memory_space<hbm>> -> memref<100000x128xf32, #tpu.memory_space<hbm>>
    tpu.enqueue_indirect_dma source(%dma_start3A_151 : memref<100000x128xf32, #tpu.memory_space<hbm>>) target(%dma_start3A_146 : memref<256x128xf32, #tpu.memory_space<vmem>>) offsets(%dma_start3A_148 : memref<256xi32, #tpu.memory_space<vmem>>) semaphore(%arg7 : memref<!tpu.dma_semaphore, #tpu.memory_space<semaphore_mem>>)
    %dma_wait3A_152 = arith.constant 1 : i32
    %dma_wait3A_153 = arith.constant 0 : i32
    %dma_wait3A_154 = arith.constant 0 : i32
    %dma_wait3A_155 = tpu.memref_slice %arg6[%dma_wait3A_152, %dma_wait3A_153, %dma_wait3A_154] : memref<3x256x128xf32, #tpu.memory_space<vmem>> -> memref<1x256x128xf32, #tpu.memory_space<vmem>>
    %dma_wait3A_156 = tpu.memref_squeeze %dma_wait3A_155 : memref<1x256x128xf32, #tpu.memory_space<vmem>> -> memref<256x128xf32, #tpu.memory_space<vmem>>
    %dma_wait3A_157 = arith.constant 256 : i32
    %dma_wait3A_158 = tpu.memref_slice %arg5[%dma_wait3A_157] : memref<1024xi32, #tpu.memory_space<vmem>> -> memref<256xi32, #tpu.memory_space<vmem>>
    %dma_wait3A_159 = arith.constant 0 : i32
    %dma_wait3A_160 = arith.constant 0 : i32
    %dma_wait3A_161 = tpu.memref_slice %arg3[%dma_wait3A_159, %dma_wait3A_160] : memref<100000x128xf32, #tpu.memory_space<hbm>> -> memref<100000x128xf32, #tpu.memory_space<hbm>>
    tpu.wait_indirect_dma semaphore(%arg7 : memref<!tpu.dma_semaphore, #tpu.memory_space<semaphore_mem>>) src(%dma_wait3A_161 : memref<100000x128xf32, #tpu.memory_space<hbm>>) dst(%dma_wait3A_156 : memref<256x128xf32, #tpu.memory_space<vmem>>)
    %add3A_162 = arith.constant 256 : i32
    %add3A_163 = arith.addi %mul3A_32, %add3A_162 : i32
    %dma_start3A_164 = arith.constant 1 : i32
    %dma_start3A_165 = arith.constant 0 : i32
    %dma_start3A_166 = arith.constant 0 : i32
    %dma_start3A_167 = tpu.memref_slice %arg6[%dma_start3A_164, %dma_start3A_165, %dma_start3A_166] : memref<3x256x128xf32, #tpu.memory_space<vmem>> -> memref<1x256x128xf32, #tpu.memory_space<vmem>>
    %dma_start3A_168 = tpu.memref_squeeze %dma_start3A_167 : memref<1x256x128xf32, #tpu.memory_space<vmem>> -> memref<256x128xf32, #tpu.memory_space<vmem>>
    %dma_start3A_169 = arith.constant 0 : i32
    %dma_start3A_170 = tpu.memref_slice %arg4[%select_n3A, %add3A_163, %dma_start3A_169] : memref<16x2048x128xf32, #tpu.memory_space<hbm>> -> memref<1x256x128xf32, #tpu.memory_space<hbm>>
    %dma_start3A_171 = tpu.memref_squeeze %dma_start3A_170 : memref<1x256x128xf32, #tpu.memory_space<hbm>> -> memref<256x128xf32, #tpu.memory_space<hbm>>
    %dma_start3A_172 = arith.constant 0 : i32
    %dma_start3A_173 = tpu.memref_slice %arg4[%select_n3A, %add3A_163, %dma_start3A_172] : memref<16x2048x128xf32, #tpu.memory_space<hbm>> -> memref<1x256x128xf32, #tpu.memory_space<hbm>>
    %dma_start3A_174 = tpu.memref_squeeze %dma_start3A_173 : memref<1x256x128xf32, #tpu.memory_space<hbm>> -> memref<256x128xf32, #tpu.memory_space<hbm>>
    %dma_start3A_175 = arith.constant 0 : i32
    %dma_start3A_176 = arith.constant 0 : i32
    %dma_start3A_177 = tpu.memref_slice %arg6[%dma_start3A_164, %dma_start3A_175, %dma_start3A_176] : memref<3x256x128xf32, #tpu.memory_space<vmem>> -> memref<1x256x128xf32, #tpu.memory_space<vmem>>
    %dma_start3A_178 = tpu.memref_squeeze %dma_start3A_177 : memref<1x256x128xf32, #tpu.memory_space<vmem>> -> memref<256x128xf32, #tpu.memory_space<vmem>>
    tpu.enqueue_dma source(%dma_start3A_178 : memref<256x128xf32, #tpu.memory_space<vmem>>) target(%dma_start3A_174 : memref<256x128xf32, #tpu.memory_space<hbm>>) target_semaphore(%arg8 : memref<!tpu.dma_semaphore, #tpu.memory_space<semaphore_mem>>)
    %dma_wait3A_179 = arith.constant 0 : i32
    %dma_wait3A_180 = arith.constant 0 : i32
    %dma_wait3A_181 = arith.constant 0 : i32
    %dma_wait3A_182 = tpu.memref_slice %arg6[%dma_wait3A_179, %dma_wait3A_180, %dma_wait3A_181] : memref<3x256x128xf32, #tpu.memory_space<vmem>> -> memref<1x256x128xf32, #tpu.memory_space<vmem>>
    %dma_wait3A_183 = tpu.memref_squeeze %dma_wait3A_182 : memref<1x256x128xf32, #tpu.memory_space<vmem>> -> memref<256x128xf32, #tpu.memory_space<vmem>>
    %dma_wait3A_184 = arith.constant 0 : i32
    %dma_wait3A_185 = tpu.memref_slice %arg4[%select_n3A, %add3A_118, %dma_wait3A_184] : memref<16x2048x128xf32, #tpu.memory_space<hbm>> -> memref<1x256x128xf32, #tpu.memory_space<hbm>>
    %dma_wait3A_186 = tpu.memref_squeeze %dma_wait3A_185 : memref<1x256x128xf32, #tpu.memory_space<hbm>> -> memref<256x128xf32, #tpu.memory_space<hbm>>
    %dma_wait3A_187 = arith.constant 0 : i32
    %dma_wait3A_188 = tpu.memref_slice %arg4[%select_n3A, %add3A_118, %dma_wait3A_187] : memref<16x2048x128xf32, #tpu.memory_space<hbm>> -> memref<1x256x128xf32, #tpu.memory_space<hbm>>
    %dma_wait3A_189 = tpu.memref_squeeze %dma_wait3A_188 : memref<1x256x128xf32, #tpu.memory_space<hbm>> -> memref<256x128xf32, #tpu.memory_space<hbm>>
    %dma_wait3A_190 = arith.constant 0 : i32
    %dma_wait3A_191 = arith.constant 0 : i32
    %dma_wait3A_192 = tpu.memref_slice %arg6[%dma_wait3A_179, %dma_wait3A_190, %dma_wait3A_191] : memref<3x256x128xf32, #tpu.memory_space<vmem>> -> memref<1x256x128xf32, #tpu.memory_space<vmem>>
    %dma_wait3A_193 = tpu.memref_squeeze %dma_wait3A_192 : memref<1x256x128xf32, #tpu.memory_space<vmem>> -> memref<256x128xf32, #tpu.memory_space<vmem>>
    tpu.wait_dma2 semaphore(%arg8 : memref<!tpu.dma_semaphore, #tpu.memory_space<semaphore_mem>>) src(%dma_wait3A_193 : memref<256x128xf32, #tpu.memory_space<vmem>>) dst(%dma_wait3A_189 : memref<256x128xf32, #tpu.memory_space<hbm>>)
    %dma_wait3A_194 = arith.constant 768 : i32
    %dma_wait3A_195 = tpu.memref_slice %arg5[%dma_wait3A_194] : memref<1024xi32, #tpu.memory_space<vmem>> -> memref<256xi32, #tpu.memory_space<vmem>>
    %dma_wait3A_196 = tpu.memref_slice %arg2[%select_n3A, %add3A_63] : memref<16x2048xi32, #tpu.memory_space<hbm>> -> memref<1x256xi32, #tpu.memory_space<hbm>>
    %dma_wait3A_197 = tpu.memref_squeeze %dma_wait3A_196 : memref<1x256xi32, #tpu.memory_space<hbm>> -> memref<256xi32, #tpu.memory_space<hbm>>
    %dma_wait3A_198 = arith.constant 768 : i32
    %dma_wait3A_199 = tpu.memref_slice %arg5[%dma_wait3A_198] : memref<1024xi32, #tpu.memory_space<vmem>> -> memref<256xi32, #tpu.memory_space<vmem>>
    %dma_wait3A_200 = tpu.memref_slice %arg2[%select_n3A, %add3A_63] : memref<16x2048xi32, #tpu.memory_space<hbm>> -> memref<1x256xi32, #tpu.memory_space<hbm>>
    %dma_wait3A_201 = tpu.memref_squeeze %dma_wait3A_200 : memref<1x256xi32, #tpu.memory_space<hbm>> -> memref<256xi32, #tpu.memory_space<hbm>>
    tpu.wait_dma2 semaphore(%arg9 : memref<!tpu.dma_semaphore, #tpu.memory_space<semaphore_mem>>) src(%dma_wait3A_201 : memref<256xi32, #tpu.memory_space<hbm>>) dst(%dma_wait3A_199 : memref<256xi32, #tpu.memory_space<vmem>>)
    %dma_start3A_202 = arith.constant 0 : i32
    %dma_start3A_203 = arith.constant 0 : i32
    %dma_start3A_204 = arith.constant 0 : i32
    %dma_start3A_205 = tpu.memref_slice %arg6[%dma_start3A_202, %dma_start3A_203, %dma_start3A_204] : memref<3x256x128xf32, #tpu.memory_space<vmem>> -> memref<1x256x128xf32, #tpu.memory_space<vmem>>
    %dma_start3A_206 = tpu.memref_squeeze %dma_start3A_205 : memref<1x256x128xf32, #tpu.memory_space<vmem>> -> memref<256x128xf32, #tpu.memory_space<vmem>>
    %dma_start3A_207 = arith.constant 768 : i32
    %dma_start3A_208 = tpu.memref_slice %arg5[%dma_start3A_207] : memref<1024xi32, #tpu.memory_space<vmem>> -> memref<256xi32, #tpu.memory_space<vmem>>
    %dma_start3A_209 = arith.constant 0 : i32
    %dma_start3A_210 = arith.constant 0 : i32
    %dma_start3A_211 = tpu.memref_slice %arg3[%dma_start3A_209, %dma_start3A_210] : memref<100000x128xf32, #tpu.memory_space<hbm>> -> memref<100000x128xf32, #tpu.memory_space<hbm>>
    tpu.enqueue_indirect_dma source(%dma_start3A_211 : memref<100000x128xf32, #tpu.memory_space<hbm>>) target(%dma_start3A_206 : memref<256x128xf32, #tpu.memory_space<vmem>>) offsets(%dma_start3A_208 : memref<256xi32, #tpu.memory_space<vmem>>) semaphore(%arg7 : memref<!tpu.dma_semaphore, #tpu.memory_space<semaphore_mem>>)
    %dma_wait3A_212 = arith.constant 2 : i32
    %dma_wait3A_213 = arith.constant 0 : i32
    %dma_wait3A_214 = arith.constant 0 : i32
    %dma_wait3A_215 = tpu.memref_slice %arg6[%dma_wait3A_212, %dma_wait3A_213, %dma_wait3A_214] : memref<3x256x128xf32, #tpu.memory_space<vmem>> -> memref<1x256x128xf32, #tpu.memory_space<vmem>>
    %dma_wait3A_216 = tpu.memref_squeeze %dma_wait3A_215 : memref<1x256x128xf32, #tpu.memory_space<vmem>> -> memref<256x128xf32, #tpu.memory_space<vmem>>
    %dma_wait3A_217 = arith.constant 512 : i32
    %dma_wait3A_218 = tpu.memref_slice %arg5[%dma_wait3A_217] : memref<1024xi32, #tpu.memory_space<vmem>> -> memref<256xi32, #tpu.memory_space<vmem>>
    %dma_wait3A_219 = arith.constant 0 : i32
    %dma_wait3A_220 = arith.constant 0 : i32
    %dma_wait3A_221 = tpu.memref_slice %arg3[%dma_wait3A_219, %dma_wait3A_220] : memref<100000x128xf32, #tpu.memory_space<hbm>> -> memref<100000x128xf32, #tpu.memory_space<hbm>>
    tpu.wait_indirect_dma semaphore(%arg7 : memref<!tpu.dma_semaphore, #tpu.memory_space<semaphore_mem>>) src(%dma_wait3A_221 : memref<100000x128xf32, #tpu.memory_space<hbm>>) dst(%dma_wait3A_216 : memref<256x128xf32, #tpu.memory_space<vmem>>)
    %add3A_222 = arith.constant 512 : i32
    %add3A_223 = arith.addi %mul3A_32, %add3A_222 : i32
    %dma_start3A_224 = arith.constant 2 : i32
    %dma_start3A_225 = arith.constant 0 : i32
    %dma_start3A_226 = arith.constant 0 : i32
    %dma_start3A_227 = tpu.memref_slice %arg6[%dma_start3A_224, %dma_start3A_225, %dma_start3A_226] : memref<3x256x128xf32, #tpu.memory_space<vmem>> -> memref<1x256x128xf32, #tpu.memory_space<vmem>>
    %dma_start3A_228 = tpu.memref_squeeze %dma_start3A_227 : memref<1x256x128xf32, #tpu.memory_space<vmem>> -> memref<256x128xf32, #tpu.memory_space<vmem>>
    %dma_start3A_229 = arith.constant 0 : i32
    %dma_start3A_230 = tpu.memref_slice %arg4[%select_n3A, %add3A_223, %dma_start3A_229] : memref<16x2048x128xf32, #tpu.memory_space<hbm>> -> memref<1x256x128xf32, #tpu.memory_space<hbm>>
    %dma_start3A_231 = tpu.memref_squeeze %dma_start3A_230 : memref<1x256x128xf32, #tpu.memory_space<hbm>> -> memref<256x128xf32, #tpu.memory_space<hbm>>
    %dma_start3A_232 = arith.constant 0 : i32
    %dma_start3A_233 = tpu.memref_slice %arg4[%select_n3A, %add3A_223, %dma_start3A_232] : memref<16x2048x128xf32, #tpu.memory_space<hbm>> -> memref<1x256x128xf32, #tpu.memory_space<hbm>>
    %dma_start3A_234 = tpu.memref_squeeze %dma_start3A_233 : memref<1x256x128xf32, #tpu.memory_space<hbm>> -> memref<256x128xf32, #tpu.memory_space<hbm>>
    %dma_start3A_235 = arith.constant 0 : i32
    %dma_start3A_236 = arith.constant 0 : i32
    %dma_start3A_237 = tpu.memref_slice %arg6[%dma_start3A_224, %dma_start3A_235, %dma_start3A_236] : memref<3x256x128xf32, #tpu.memory_space<vmem>> -> memref<1x256x128xf32, #tpu.memory_space<vmem>>
    %dma_start3A_238 = tpu.memref_squeeze %dma_start3A_237 : memref<1x256x128xf32, #tpu.memory_space<vmem>> -> memref<256x128xf32, #tpu.memory_space<vmem>>
    tpu.enqueue_dma source(%dma_start3A_238 : memref<256x128xf32, #tpu.memory_space<vmem>>) target(%dma_start3A_234 : memref<256x128xf32, #tpu.memory_space<hbm>>) target_semaphore(%arg8 : memref<!tpu.dma_semaphore, #tpu.memory_space<semaphore_mem>>)
    %dma_wait3A_239 = arith.constant 0 : i32
    %dma_wait3A_240 = arith.constant 0 : i32
    %dma_wait3A_241 = arith.constant 0 : i32
    %dma_wait3A_242 = tpu.memref_slice %arg6[%dma_wait3A_239, %dma_wait3A_240, %dma_wait3A_241] : memref<3x256x128xf32, #tpu.memory_space<vmem>> -> memref<1x256x128xf32, #tpu.memory_space<vmem>>
    %dma_wait3A_243 = tpu.memref_squeeze %dma_wait3A_242 : memref<1x256x128xf32, #tpu.memory_space<vmem>> -> memref<256x128xf32, #tpu.memory_space<vmem>>
    %dma_wait3A_244 = arith.constant 768 : i32
    %dma_wait3A_245 = tpu.memref_slice %arg5[%dma_wait3A_244] : memref<1024xi32, #tpu.memory_space<vmem>> -> memref<256xi32, #tpu.memory_space<vmem>>
    %dma_wait3A_246 = arith.constant 0 : i32
    %dma_wait3A_247 = arith.constant 0 : i32
    %dma_wait3A_248 = tpu.memref_slice %arg3[%dma_wait3A_246, %dma_wait3A_247] : memref<100000x128xf32, #tpu.memory_space<hbm>> -> memref<100000x128xf32, #tpu.memory_space<hbm>>
    tpu.wait_indirect_dma semaphore(%arg7 : memref<!tpu.dma_semaphore, #tpu.memory_space<semaphore_mem>>) src(%dma_wait3A_248 : memref<100000x128xf32, #tpu.memory_space<hbm>>) dst(%dma_wait3A_243 : memref<256x128xf32, #tpu.memory_space<vmem>>)
    %add3A_249 = arith.constant 768 : i32
    %add3A_250 = arith.addi %mul3A_32, %add3A_249 : i32
    %dma_start3A_251 = arith.constant 0 : i32
    %dma_start3A_252 = arith.constant 0 : i32
    %dma_start3A_253 = arith.constant 0 : i32
    %dma_start3A_254 = tpu.memref_slice %arg6[%dma_start3A_251, %dma_start3A_252, %dma_start3A_253] : memref<3x256x128xf32, #tpu.memory_space<vmem>> -> memref<1x256x128xf32, #tpu.memory_space<vmem>>
    %dma_start3A_255 = tpu.memref_squeeze %dma_start3A_254 : memref<1x256x128xf32, #tpu.memory_space<vmem>> -> memref<256x128xf32, #tpu.memory_space<vmem>>
    %dma_start3A_256 = arith.constant 0 : i32
    %dma_start3A_257 = tpu.memref_slice %arg4[%select_n3A, %add3A_250, %dma_start3A_256] : memref<16x2048x128xf32, #tpu.memory_space<hbm>> -> memref<1x256x128xf32, #tpu.memory_space<hbm>>
    %dma_start3A_258 = tpu.memref_squeeze %dma_start3A_257 : memref<1x256x128xf32, #tpu.memory_space<hbm>> -> memref<256x128xf32, #tpu.memory_space<hbm>>
    %dma_start3A_259 = arith.constant 0 : i32
    %dma_start3A_260 = tpu.memref_slice %arg4[%select_n3A, %add3A_250, %dma_start3A_259] : memref<16x2048x128xf32, #tpu.memory_space<hbm>> -> memref<1x256x128xf32, #tpu.memory_space<hbm>>
    %dma_start3A_261 = tpu.memref_squeeze %dma_start3A_260 : memref<1x256x128xf32, #tpu.memory_space<hbm>> -> memref<256x128xf32, #tpu.memory_space<hbm>>
    %dma_start3A_262 = arith.constant 0 : i32
    %dma_start3A_263 = arith.constant 0 : i32
    %dma_start3A_264 = tpu.memref_slice %arg6[%dma_start3A_251, %dma_start3A_262, %dma_start3A_263] : memref<3x256x128xf32, #tpu.memory_space<vmem>> -> memref<1x256x128xf32, #tpu.memory_space<vmem>>
    %dma_start3A_265 = tpu.memref_squeeze %dma_start3A_264 : memref<1x256x128xf32, #tpu.memory_space<vmem>> -> memref<256x128xf32, #tpu.memory_space<vmem>>
    tpu.enqueue_dma source(%dma_start3A_265 : memref<256x128xf32, #tpu.memory_space<vmem>>) target(%dma_start3A_261 : memref<256x128xf32, #tpu.memory_space<hbm>>) target_semaphore(%arg8 : memref<!tpu.dma_semaphore, #tpu.memory_space<semaphore_mem>>)
    %dma_wait3A_266 = arith.constant 1 : i32
    %dma_wait3A_267 = arith.constant 0 : i32
    %dma_wait3A_268 = arith.constant 0 : i32
    %dma_wait3A_269 = tpu.memref_slice %arg6[%dma_wait3A_266, %dma_wait3A_267, %dma_wait3A_268] : memref<3x256x128xf32, #tpu.memory_space<vmem>> -> memref<1x256x128xf32, #tpu.memory_space<vmem>>
    %dma_wait3A_270 = tpu.memref_squeeze %dma_wait3A_269 : memref<1x256x128xf32, #tpu.memory_space<vmem>> -> memref<256x128xf32, #tpu.memory_space<vmem>>
    %dma_wait3A_271 = arith.constant 0 : i32
    %dma_wait3A_272 = tpu.memref_slice %arg4[%select_n3A, %add3A_163, %dma_wait3A_271] : memref<16x2048x128xf32, #tpu.memory_space<hbm>> -> memref<1x256x128xf32, #tpu.memory_space<hbm>>
    %dma_wait3A_273 = tpu.memref_squeeze %dma_wait3A_272 : memref<1x256x128xf32, #tpu.memory_space<hbm>> -> memref<256x128xf32, #tpu.memory_space<hbm>>
    %dma_wait3A_274 = arith.constant 0 : i32
    %dma_wait3A_275 = tpu.memref_slice %arg4[%select_n3A, %add3A_163, %dma_wait3A_274] : memref<16x2048x128xf32, #tpu.memory_space<hbm>> -> memref<1x256x128xf32, #tpu.memory_space<hbm>>
    %dma_wait3A_276 = tpu.memref_squeeze %dma_wait3A_275 : memref<1x256x128xf32, #tpu.memory_space<hbm>> -> memref<256x128xf32, #tpu.memory_space<hbm>>
    %dma_wait3A_277 = arith.constant 0 : i32
    %dma_wait3A_278 = arith.constant 0 : i32
    %dma_wait3A_279 = tpu.memref_slice %arg6[%dma_wait3A_266, %dma_wait3A_277, %dma_wait3A_278] : memref<3x256x128xf32, #tpu.memory_space<vmem>> -> memref<1x256x128xf32, #tpu.memory_space<vmem>>
    %dma_wait3A_280 = tpu.memref_squeeze %dma_wait3A_279 : memref<1x256x128xf32, #tpu.memory_space<vmem>> -> memref<256x128xf32, #tpu.memory_space<vmem>>
    tpu.wait_dma2 semaphore(%arg8 : memref<!tpu.dma_semaphore, #tpu.memory_space<semaphore_mem>>) src(%dma_wait3A_280 : memref<256x128xf32, #tpu.memory_space<vmem>>) dst(%dma_wait3A_276 : memref<256x128xf32, #tpu.memory_space<hbm>>)
    %dma_wait3A_281 = arith.constant 2 : i32
    %dma_wait3A_282 = arith.constant 0 : i32
    %dma_wait3A_283 = arith.constant 0 : i32
    %dma_wait3A_284 = tpu.memref_slice %arg6[%dma_wait3A_281, %dma_wait3A_282, %dma_wait3A_283] : memref<3x256x128xf32, #tpu.memory_space<vmem>> -> memref<1x256x128xf32, #tpu.memory_space<vmem>>
    %dma_wait3A_285 = tpu.memref_squeeze %dma_wait3A_284 : memref<1x256x128xf32, #tpu.memory_space<vmem>> -> memref<256x128xf32, #tpu.memory_space<vmem>>
    %dma_wait3A_286 = arith.constant 0 : i32
    %dma_wait3A_287 = tpu.memref_slice %arg4[%select_n3A, %add3A_223, %dma_wait3A_286] : memref<16x2048x128xf32, #tpu.memory_space<hbm>> -> memref<1x256x128xf32, #tpu.memory_space<hbm>>
    %dma_wait3A_288 = tpu.memref_squeeze %dma_wait3A_287 : memref<1x256x128xf32, #tpu.memory_space<hbm>> -> memref<256x128xf32, #tpu.memory_space<hbm>>
    %dma_wait3A_289 = arith.constant 0 : i32
    %dma_wait3A_290 = tpu.memref_slice %arg4[%select_n3A, %add3A_223, %dma_wait3A_289] : memref<16x2048x128xf32, #tpu.memory_space<hbm>> -> memref<1x256x128xf32, #tpu.memory_space<hbm>>
    %dma_wait3A_291 = tpu.memref_squeeze %dma_wait3A_290 : memref<1x256x128xf32, #tpu.memory_space<hbm>> -> memref<256x128xf32, #tpu.memory_space<hbm>>
    %dma_wait3A_292 = arith.constant 0 : i32
    %dma_wait3A_293 = arith.constant 0 : i32
    %dma_wait3A_294 = tpu.memref_slice %arg6[%dma_wait3A_281, %dma_wait3A_292, %dma_wait3A_293] : memref<3x256x128xf32, #tpu.memory_space<vmem>> -> memref<1x256x128xf32, #tpu.memory_space<vmem>>
    %dma_wait3A_295 = tpu.memref_squeeze %dma_wait3A_294 : memref<1x256x128xf32, #tpu.memory_space<vmem>> -> memref<256x128xf32, #tpu.memory_space<vmem>>
    tpu.wait_dma2 semaphore(%arg8 : memref<!tpu.dma_semaphore, #tpu.memory_space<semaphore_mem>>) src(%dma_wait3A_295 : memref<256x128xf32, #tpu.memory_space<vmem>>) dst(%dma_wait3A_291 : memref<256x128xf32, #tpu.memory_space<hbm>>)
    %dma_wait3A_296 = arith.constant 0 : i32
    %dma_wait3A_297 = arith.constant 0 : i32
    %dma_wait3A_298 = arith.constant 0 : i32
    %dma_wait3A_299 = tpu.memref_slice %arg6[%dma_wait3A_296, %dma_wait3A_297, %dma_wait3A_298] : memref<3x256x128xf32, #tpu.memory_space<vmem>> -> memref<1x256x128xf32, #tpu.memory_space<vmem>>
    %dma_wait3A_300 = tpu.memref_squeeze %dma_wait3A_299 : memref<1x256x128xf32, #tpu.memory_space<vmem>> -> memref<256x128xf32, #tpu.memory_space<vmem>>
    %dma_wait3A_301 = arith.constant 0 : i32
    %dma_wait3A_302 = tpu.memref_slice %arg4[%select_n3A, %add3A_250, %dma_wait3A_301] : memref<16x2048x128xf32, #tpu.memory_space<hbm>> -> memref<1x256x128xf32, #tpu.memory_space<hbm>>
    %dma_wait3A_303 = tpu.memref_squeeze %dma_wait3A_302 : memref<1x256x128xf32, #tpu.memory_space<hbm>> -> memref<256x128xf32, #tpu.memory_space<hbm>>
    %dma_wait3A_304 = arith.constant 0 : i32
    %dma_wait3A_305 = tpu.memref_slice %arg4[%select_n3A, %add3A_250, %dma_wait3A_304] : memref<16x2048x128xf32, #tpu.memory_space<hbm>> -> memref<1x256x128xf32, #tpu.memory_space<hbm>>
    %dma_wait3A_306 = tpu.memref_squeeze %dma_wait3A_305 : memref<1x256x128xf32, #tpu.memory_space<hbm>> -> memref<256x128xf32, #tpu.memory_space<hbm>>
    %dma_wait3A_307 = arith.constant 0 : i32
    %dma_wait3A_308 = arith.constant 0 : i32
    %dma_wait3A_309 = tpu.memref_slice %arg6[%dma_wait3A_296, %dma_wait3A_307, %dma_wait3A_308] : memref<3x256x128xf32, #tpu.memory_space<vmem>> -> memref<1x256x128xf32, #tpu.memory_space<vmem>>
    %dma_wait3A_310 = tpu.memref_squeeze %dma_wait3A_309 : memref<1x256x128xf32, #tpu.memory_space<vmem>> -> memref<256x128xf32, #tpu.memory_space<vmem>>
    tpu.wait_dma2 semaphore(%arg8 : memref<!tpu.dma_semaphore, #tpu.memory_space<semaphore_mem>>) src(%dma_wait3A_310 : memref<256x128xf32, #tpu.memory_space<vmem>>) dst(%dma_wait3A_306 : memref<256x128xf32, #tpu.memory_space<hbm>>)
    return
  }
}

</mosaic_0001>

<sc_bundles>
// kernel: kernel.3.cloned.1.call-start
scs
__scs_entry_jumppad:
0x0: {  	(pc) =	sbr.rel $0x88, $3  }
0x1: {  	(tag) =	ssettag $0x0;
	lr =	simm.s32 $0x1  }
0x2: {  	[smem:$0x3F9F] =	sst lr;
	_ =	strace $0xD0000000  }
0x3: {  	_ = 	snop  }
0x4: {  	_ = 	snop  }
0x5: {  	_ = 	snop  }
0x6: {  	_ = 	snop  }
0x7: {  	_ = 	snop  }
__scs_overlays_trampoline_lowered:
0x8: {  	[smem:$0x3FAE] =	sst s0  }
0x9: {  	[smem:$0x3FAF] =	sst s1  }
0xa: {  	[smem:$0x3FB0] =	sst s2  }
0xb: {  	[smem:$0x3FB1] =	sst s3  }
0xc: {  	[smem:$0x3FB2] =	sst s4  }
0xd: {  	[smem:$0x3FB3] =	sst s5  }
0xe: {  	[smem:$0x3FB4] =	sst s6  }
0xf: {  	[smem:$0x3FB5] =	sst s7  }
0x10: {  	[smem:$0x3FB6] =	sst s8  }
0x11: {  	[smem:$0x3FB7] =	sst s9;
	s0 =	simm.s32 @!p0 $0x0  }
0x12: {  	s1 =	sld [smem:$0x3F9D];
	s0 =	simm.s32 @p0 $0x1  }
0x13: {  	[smem:$0x3FB8] =	sst s0;
	s0 =	simm.s32 @!p1 $0x0  }
0x14: {  	s2 =	sld [smem:$0x3F9C];
	s0 =	simm.s32 @p1 $0x1  }
0x15: {  	[smem:$0x3FB9] =	sst s0;
	s0 =	simm.s32 @!p2 $0x0  }
0x16: {  	s3 =	sld [smem:$0x3FDB];
	s0 =	simm.s32 @p2 $0x1  }
0x17: {  	s4 =	simm.s32 $0x1BF5;
	[smem:$0x3FBB] =	sst s0  }
0x18: {  	s0 =	sld [smem:$0x3F9E];
	_ =	swait.ge [sflag:s4], $0x0  }
0x19: {  	s7 =	sld [smem:$0x3F9F]  }
0x1a: {  	s8 =	sadd.s32 $0xFFFFE003, lr  }
0x1b: {  	s9 =	sadd.s32 $0xFFFFFEF7, lr;
	s5 =	simm.s32 $0xFFFFFFFF;
	p2 =	slt.u32 s8, $0xFFFFF086  }
0x1c: {  	p1 =	slt.u32 s9, $0xF7A;
	s5 =	simm.s32 @!p2 $0x0  }
0x1d: {  	s5 =	simm.s32 @p1 $0x1;
	p0 =	seq.s32 s7, s2  }
0x1e: {  	s7 =	smul.u32 @!p0 $0xF7A, s2;
	p2 =	seq.s32 @!p0 s5, $0x0  }
0x1f: {  	s9 =	smul.u32 $0xF7A, s1;
	s8 =	simm.s32 @!p0 $0x1BF5;
	p2 =	por !p2, p0  }
0x20: {  	[sflag:s8] =	ssyncset.s32 @!p0 $0xFFFFF086;
	s6 =	sadd.s32 @!p0 s3, s7;
	s7 =	simm.s32 @!p0 $0x108  }
0x21: {  	s3 =	sadd.s32 s3, s9;
	s6 =	sadd.s32 @!p0 $0x88, s6;
	s7 =	simm.s32 @p2 $0x1082  }
0x22: {  	[simem:s7], [sflag:s8] =	dma.local @!p0 [hbm:s6], $0xF7A  }
0x23: {  	s9 =	sor.u32 $0xD0000000, s2;
	s6 =	simm.s32 $0x108;
	_ =	swait.ge @!p0 [sflag:s8], $0x0  }
0x24: {  	s3 =	sadd.s32 $0x88, s3;
	s6 =	simm.s32 @!p1 $0x1082;
	[sflag:s4] =	ssyncset.s32 $0xFFFFF086  }
0x25: {  	[simem:s6], [sflag:s4] =	dma.local [hbm:s3], $0xF7A  }
0x26: {  	[smem:$0x3F9F] =	sst s1;
	(tag) =	ssettag s2;
	_ =	strace s9  }
0x27: {  	s1 =	sld [smem:$0x3FAF]  }
0x28: {  	s2 =	sld [smem:$0x3FB0]  }
0x29: {  	s4 =	sld [smem:$0x3FB2]  }
0x2a: {  	p0 =	seq.s32 s5, $0x0;
	s5 =	sld [smem:$0x3FB3]  }
0x2b: {  	s6 =	sld [smem:$0x3FB4]  }
0x2c: {  	s7 =	sld [smem:$0x3FB5]  }
0x2d: {  	s3 =	simm.s32 $0x108;
	s8 =	sld [smem:$0x3FB6]  }
0x2e: {  	s3 =	simm.s32 @!p0 $0x1082;
	s9 =	sld [smem:$0x3FB7]  }
0x2f: {  	lr =	sadd.s32 s0, s3;
	s0 =	sld [smem:$0x3FAE]  }
0x30: {  	s3 =	sld [smem:$0x3FB1]  }
0x31: {  	[smem:$0x3FBA] =	sst s10  }
0x32: {  	s10 =	sld [smem:$0x3FB8];
	_ =	sdelay $0x3  }
0x33: {  	p0 =	seq.s32 s10, $0x1;
	s10 =	sld [smem:$0x3FBA];
	_ =	sdelay $0x3  }
0x34: {  	[smem:$0x3FBA] =	sst s10  }
0x35: {  	s10 =	sld [smem:$0x3FB9];
	_ =	sdelay $0x3  }
0x36: {  	p1 =	seq.s32 s10, $0x1;
	s10 =	sld [smem:$0x3FBA];
	_ =	sdelay $0x3  }
0x37: {  	[smem:$0x3FBA] =	sst s10  }
0x38: {  	s10 =	sld [smem:$0x3FBB]  }
0x39: {  	_ = 	snop;
	(pc) =	sbr.ind lr, $3  }
0x3a: {  	_ = 	snop  }
0x3b: {  	_ = 	snop  }
0x3c: {  	p2 =	seq.s32 s10, $0x1;
	s10 =	sld [smem:$0x3FBA]  }
0x3d: {  	_ =	shalt  }
0x3e: {  	_ =	shalt  }
0x3f: {  	_ =	shalt  }
0x40: {  	_ =	shalt  }
0x41: {  	_ =	shalt  }
0x42: {  	_ =	shalt  }
0x43: {  	_ =	shalt  }
0x44: {  	_ =	shalt  }
0x45: {  	_ =	shalt  }
0x46: {  	_ =	shalt  }
0x47: {  	_ =	shalt  }
0x48: {  	_ =	shalt  }
0x49: {  	_ =	shalt  }
0x4a: {  	_ =	shalt  }
0x4b: {  	_ =	shalt  }
0x4c: {  	_ =	shalt  }
0x4d: {  	_ =	shalt  }
0x4e: {  	_ =	shalt  }
0x4f: {  	_ =	shalt  }
0x50: {  	_ =	shalt  }
0x51: {  	_ =	shalt  }
0x52: {  	_ =	shalt  }
0x53: {  	_ =	shalt  }
0x54: {  	_ =	shalt  }
0x55: {  	_ =	shalt  }
0x56: {  	_ =	shalt  }
0x57: {  	_ =	shalt  }
0x58: {  	_ =	shalt  }
0x59: {  	_ =	shalt  }
0x5a: {  	_ =	shalt  }
0x5b: {  	_ =	shalt  }
0x5c: {  	_ =	shalt  }
0x5d: {  	_ =	shalt  }
0x5e: {  	_ =	shalt  }
0x5f: {  	_ =	shalt  }
0x60: {  	_ =	shalt  }
0x61: {  	_ =	shalt  }
0x62: {  	_ =	shalt  }
0x63: {  	_ =	shalt  }
0x64: {  	_ =	shalt  }
0x65: {  	_ =	shalt  }
0x66: {  	_ =	shalt  }
0x67: {  	_ =	shalt  }
0x68: {  	_ =	shalt  }
0x69: {  	_ =	shalt  }
0x6a: {  	_ =	shalt  }
0x6b: {  	_ =	shalt  }
0x6c: {  	_ =	shalt  }
0x6d: {  	_ =	shalt  }
0x6e: {  	_ =	shalt  }
0x6f: {  	_ =	shalt  }
0x70: {  	_ =	shalt  }
0x71: {  	_ =	shalt  }
0x72: {  	_ =	shalt  }
0x73: {  	_ =	shalt  }
0x74: {  	_ =	shalt  }
0x75: {  	_ =	shalt  }
0x76: {  	_ =	shalt  }
0x77: {  	_ =	shalt  }
0x78: {  	_ =	shalt  }
0x79: {  	_ =	shalt  }
0x7a: {  	_ =	shalt  }
0x7b: {  	_ =	shalt  }
0x7c: {  	_ =	shalt  }
0x7d: {  	_ =	shalt  }
0x7e: {  	_ =	shalt  }
0x7f: {  	_ =	shalt  }
0x80: {  	_ =	shalt  }
0x81: {  	_ =	shalt  }
0x82: {  	_ =	shalt  }
0x83: {  	_ =	shalt  }
0x84: {  	_ =	shalt  }
0x85: {  	_ =	shalt  }
0x86: {  	_ =	shalt  }
0x87: {  	_ =	shalt  }
.Lfunc_end0:
.L_simem_size_0:
called_computation_lowered:
.L_overlay_start_0:
0x88: {  	s2 =	sld [smem:$0x3FD9]  }
0x89: {  	s3 =	sld [smem:$0x3FFE];
	_ =	sdelay $0x1  }
0x8a: {  	s1 =	srdreg.scid  }
0x8b: {  	s0 =	sand.u32 $0x1, s1  }
0x8c: {  	s18 =	sshll.u32 s0, $0xA;
	s2 =	sadd.s32 s3, s2  }
0x8d: {  	s2 =	sadd.s32 s2, s18  }
0x8e: {  	[smem:$0x3FC6] =	sst s2  }
0x8f: {  	_ = 	snop  }
0x90: {  	s2 =	sld [smem:$0x3FC9]  }
0x91: {  	s19 =	sld [smem:$0x3FC8]  }
0x92: {  	s4 =	sld [smem:$0x3FD0];
	(tm) =	ssettm $0x1  }
0x93: {  	s5 =	sld [smem:$0x3FFB];
	_ =	sdelay $0x3  }
0x94: {  	_ =	strace s5  }
0x95: {  	s5 =	sld [smem:$0x3FFC];
	_ =	sdelay $0x3  }
0x96: {  	_ =	strace s5  }
0x97: {  	s5 =	sld [smem:$0x3FFD];
	_ =	sdelay $0x3  }
0x98: {  	_ =	strace s5  }
0x99: {  	_ =	strace $0x8FFFFFFF  }
0x9a: {  	s20 =	sld [smem:$0x3FDB];
	_ =	sdelay $0x1  }
0x9b: {  	s6 =	simm.s32 $_scs_section_size  }
0x9c: {  	s7 =	simm.s32 $_size__tile_overlayer_lowered;
	s8 =	simm.s32 $_tile_overlayer_lowered  }
0x9d: {  	s23 =	simm.s32 $0x1BFF;
	s22 =	sshll.u32 s8, $0x1;
	s5 =	sadd.s32 s6, s20  }
0x9e: {  	s9 =	simm.s32 $0x0;
	s21 =	sshll.u32 s7, $0x1;
	s7 =	sadd.s32 s22, s5  }
0x9f: {  	[timem:s9], [sflag:s23] =	dma.local [hbm:s7], s21  }
0xa0: {  	_ =	swait.ge [sflag:s23], s21  }
0xa1: {  	s6 =	ssub.s32 $0x0, s21;
	[sflag:s23] =	ssyncset.done $0x0  }
0xa2: {  	[sflag:s23] =	ssyncadd.s32 s6;
	_ =	sdelay $0x1  }
0xa3: {  	s24 =	simm.s32 $0x1B8B  }
0xa4: {  	_ =	swait.ge [sflag:s24], $0x1  }
0xa5: {  	[sflag:s24] =	ssyncset.done $0x0  }
0xa6: {  	s25 =	simm.s32 $0x1B8E;
	[sflag:s24] =	ssyncadd.s32 $0xFFFFFFFF  }
0xa7: {  	s26 =	simm.s32 $execute0_lowered;
	[smem:$0x3FD2] =	sst s25  }
0xa8: {  	s6 =	sshll.u32 s26, $0x1;
	_ =	strace $0x80000046;
	[dreg:$0x1] =	wrdreg $0xFFFFFFFF  }
0xa9: {  	s28 =	simm.s32 $_size_execute0_lowered;
	s5 =	sadd.s32 s5, s6;
	[dreg:$0x0] =	wrdreg $0x0  }
0xaa: {  	s6 =	sshll.u32 s28, $0x1;
	[dreg:$0x2] =	wrdreg s5  }
0xab: {  	[dreg:$0x3] =	wrdreg s6  }
0xac: {  	[dreg:$0x4] =	wrdreg $0xC0  }
0xad: {  	_ =	task [dreg:s9], $0x5FFFF  }
0xae: {  	[dreg:$0x1] =	wrdreg $0xFFFFFFFF  }
0xaf: {  	[dreg:$0x0] =	wrdreg $0x60  }
0xb0: {  	[dreg:$0x2] =	wrdreg s2  }
0xb1: {  	[dreg:$0x3] =	wrdreg s19  }
0xb2: {  	[dreg:$0x4] =	wrdreg s4  }
0xb3: {  	[dreg:$0x5] =	wrdreg $0x9  }
0xb4: {  	_ =	task.clear_ibuf [dreg:s9], $0x6FFFF;
	_ =	strace $0x90000046  }
0xb5: {  	s29 =	simm.s32 $0x9;
	_ =	strace $0x80000048  }
0xb6: {  	_ =	swait.ge [sflag:s29], $0x1  }
0xb7: {  	[sflag:s29] =	ssyncadd.s32 $0xFFFFFFFF  }
0xb8: {  	_ =	strace $0x90000048  }
0xb9: {  	_ =	sfence  }
0xba: {  	s30 =	sld [smem:$0x0];
	_ =	sdelay $0x2  }
0xbb: {  	s31 =	sshll.u32 s1, $0xD;
	s1 =	sshrl.u32 s1, $0x2  }
0xbc: {  	s3 =	sand.u32 $0x4000, s31;
	s1 =	sadd.s32 s1, s30  }
0xbd: {  	s0 =	sor.u32 s3, s0;
	s1 =	sshll.u32 s1, $0x11  }
0xbe: {  	s0 =	sor.u32 s1, s0  }
0xbf: {  	s0 =	sadd.s32 $0x8F2B, s0  }
0xc0: {  	[sflag:s0] =	ssyncadd.remote.s32 $0x1  }
0xc1: {  	_ =	sfence.sel $0xFFFF  }
0xc2: {  	[dreg:$0x0] =	wrdreg $0xFFFFFFFF;
	(pc) =	sbr.abs _section_cstart, $3  }
0xc3: {  	[dreg:$0x1] =	wrdreg $0xFFFFFFFF  }
0xc4: {  	_ =	task.clear_ibuf [dreg:s9], $0x2FFFF;
	_ =	strace $0x9FFFFFFF  }
0xc5: {  	(tm) =	ssettm $0x7FFFFFFF  }
tec
execute0_lowered:
.L_overlay_start_1:
0x0: {  	(tag) =	ssettag $0x1  }
0x1: {  	s1 =	srdreg.scid;
	s11 =	rddreg [dreg:$0x0]  }
0x2: {  	s0 =	stileid.u32;
	s2 =	rddreg [dreg:$0x1];
	s22 =	sand.u32 $0x1, s1  }
0x3: {  	s21 =	rddreg [dreg:$0x2];
	s1 =	sor.u32 s22, s0  }
0x4: {  	s3 =	simm.s32 $0x0;
	p1 =	seq.s32 s22, $0x1;
	p0 =	seq.s32 s1, $0x0  }
0x5: {  	s4 =	simm.s32 $0x1;
	[smem:$0x7FF] =	sst s3;
	p0 =	por !p0, !p1  }
0x6: {  	s5 =	sshll.u32 s22, $0xA;
	s7 =	sshll.u32 s22, $0xD;
	p0 =	por !p0, !p0  }
0x7: {  	s1 =	rddreg [dreg:$0x3];
	s17 =	sor.u32 $0x100, s5;
	s4 =	simm.s32 @!p0 $0x0  }
0x8: {  	_ =	strace $0x80000047;
	s20 =	sor.u32 $0x200, s5;
	s15 =	ssub.s32 s0, s4  }
0x9: {  	s23 =	sor.u32 $0x300, s5;
	s29 =	sshll.u32 s17, $0x3;
	s4 =	sshll.u32 s15, $0xB  }
0xa: {  	s9 =	sshll.u32 s20, $0x3;
	s26 =	sshll.u32 s15, $0x7;
	s6 =	sand.u32 $0xFFFFC000, s4  }
0xb: {  	s30 =	sshll.u32 s23, $0x3;
	s8 =	sand.u32 $0x380, s26;
	s28 =	sor.u32 s7, s6  }
0xc: {  	s7 =	sor.u32 s29, s6;
	s9 =	sor.u32 s9, s6;
	s10 =	sor.u32 s30, s6  }
0xd: {  	s6 =	simm.s32 $0x80;
	s4 =	sor.u32 s8, s28;
	s7 =	sor.u32 s8, s7  }
0xe: {  	s9 =	sor.u32 s8, s9;
	s4 =	sshrl.u32 s4, $0x3;
	s7 =	sshrl.u32 s7, $0x3  }
0xf: {  	s4 =	sadd.s32 s11, s4;
	s5 =	sadd.s32 s11, s7;
	s7 =	simm.s32 $0x400  }
0x10: {  	[tilespmem:s3], [sflag:$0x3] =	stream.strided.gather [hbm4b:s4+s6], $0x100, s7, s6, $0x38;
	[tilespmem:$0x18400] =	vst v63  }
0x11: {  	s10 =	sor.u32 s8, s10;
	s8 =	simm.s32 $0x100;
	s9 =	sshrl.u32 s9, $0x3  }
0x12: {  	[tilespmem:s8], [sflag:$0x3] =	stream.strided.gather [hbm4b:s5+s6], $0x100, s7, s6, $0x38;
	[tilespmem:$0x18400] =	vst v63  }
0x13: {  	s12 =	sshrl.u32 s10, $0x3;
	s10 =	simm.s32 $0x200;
	s9 =	sadd.s32 s11, s9  }
0x14: {  	[tilespmem:s10], [sflag:$0x3] =	stream.strided.gather [hbm4b:s9+s6], $0x100, s7, s6, $0x38;
	[tilespmem:$0x18400] =	vst v63  }
0x15: {  	s13 =	simm.s32 $0x3;
	s11 =	sadd.s32 s11, s12;
	s12 =	simm.s32 $0x300  }
0x16: {  	[tilespmem:s12], [sflag:$0x3] =	stream.strided.gather [hbm4b:s11+s6], $0x100, s7, s6, $0x38;
	[tilespmem:$0x18400] =	vst v63  }
0x17: {  	_ =	swait.ge [sflag:s13], $0x100  }
0x18: {  	[sflag:s13] =	ssyncset.done $0x0  }
0x19: {  	[sflag:s13] =	ssyncadd.s32 $0xFFFFFF00  }
0x1a: {  	[tilespmem:s7], [sflag:$0x1] =	stream.indirect.gather [hbm4b:s2+s8], $0x80, s3, s8, $0xb8;
	[tilespmem:$0x18400] =	vst v63  }
0x1b: {  	_ =	swait.ge [sflag:s13], $0x100  }
0x1c: {  	s14 =	simm.s32 $0x1;
	s16 =	sshll.u32 s22, $0x11;
	[sflag:s13] =	ssyncset.done $0x0  }
0x1d: {  	s24 =	sshll.u32 s15, $0x12;
	s15 =	simm.s32 $0x8400;
	[sflag:s13] =	ssyncadd.s32 $0xFFFFFF00  }
0x1e: {  	[tilespmem:s15], [sflag:$0x1] =	stream.indirect.gather [hbm4b:s2+s8], $0x80, s8, s8, $0xb8;
	[tilespmem:$0x18400] =	vst v63  }
0x1f: {  	s16 =	sor.u32 s16, s24;
	_ =	swait.ge [sflag:s14], $0x8000  }
0x20: {  	s16 =	sshrl.u32 s16, $0x3;
	[sflag:s14] =	ssyncset.done $0x0  }
0x21: {  	s16 =	sadd.s32 s21, s16;
	[sflag:s14] =	ssyncadd.s32 $0xFFFF8000  }
0x22: {  	[hbm4b:s16+s3] =	stream.linear.scatter [tilespmem:s7], [sflag:$0x2], $0x8000, $0x38;
	[tilespmem:$0x18400] =	vst v63  }
0x23: {  	_ =	swait.ge [sflag:s13], $0x100  }
0x24: {  	[sflag:s13] =	ssyncset.done $0x0  }
0x25: {  	s18 =	sshll.u32 s17, $0x7;
	s17 =	simm.s32 $0x10400;
	[sflag:s13] =	ssyncadd.s32 $0xFFFFFF00  }
0x26: {  	[tilespmem:s17], [sflag:$0x1] =	stream.indirect.gather [hbm4b:s2+s8], $0x80, s10, s8, $0xb8;
	[tilespmem:$0x18400] =	vst v63  }
0x27: {  	s18 =	sor.u32 s18, s24;
	_ =	swait.ge [sflag:s14], $0x8000  }
0x28: {  	s18 =	sshrl.u32 s18, $0x3;
	[sflag:s14] =	ssyncset.done $0x0  }
0x29: {  	s19 =	sadd.s32 s21, s18;
	s18 =	simm.s32 $0x2;
	[sflag:s14] =	ssyncadd.s32 $0xFFFF8000  }
0x2a: {  	[hbm4b:s19+s3] =	stream.linear.scatter [tilespmem:s15], [sflag:$0x2], $0x8000, $0x38;
	[tilespmem:$0x18400] =	vst v63  }
0x2b: {  	_ =	swait.ge [sflag:s18], $0x8000  }
0x2c: {  	[sflag:s18] =	ssyncset.done $0x0  }
0x2d: {  	[sflag:s18] =	ssyncadd.s32 $0xFFFF8000  }
0x2e: {  	_ =	swait.ge [sflag:s13], $0x100  }
0x2f: {  	[sflag:s13] =	ssyncset.done $0x0  }
0x30: {  	s20 =	sshll.u32 s20, $0x7;
	[sflag:s13] =	ssyncadd.s32 $0xFFFFFF00  }
0x31: {  	[tilespmem:s7], [sflag:$0x1] =	stream.indirect.gather [hbm4b:s2+s8], $0x80, s12, s8, $0xb8;
	[tilespmem:$0x18400] =	vst v63  }
0x32: {  	s20 =	sor.u32 s20, s24;
	_ =	swait.ge [sflag:s14], $0x8000  }
0x33: {  	s20 =	sshrl.u32 s20, $0x3;
	[sflag:s14] =	ssyncset.done $0x0  }
0x34: {  	s23 =	sshll.u32 s23, $0x7;
	s20 =	sadd.s32 s21, s20;
	[sflag:s14] =	ssyncadd.s32 $0xFFFF8000  }
0x35: {  	[hbm4b:s20+s3] =	stream.linear.scatter [tilespmem:s17], [sflag:$0x2], $0x8000, $0x38;
	[tilespmem:$0x18400] =	vst v63  }
0x36: {  	s23 =	sor.u32 s23, s24;
	_ =	swait.ge [sflag:s14], $0x8000  }
0x37: {  	s22 =	ssub.s32 $0x2, s22;
	s23 =	sshrl.u32 s23, $0x3;
	[sflag:s14] =	ssyncset.done $0x0  }
0x38: {  	s31 =	sshrl.u32 s22, $0x1;
	s21 =	sadd.s32 s21, s23;
	[sflag:s14] =	ssyncadd.s32 $0xFFFF8000  }
0x39: {  	[hbm4b:s21+s3] =	stream.linear.scatter [tilespmem:s7], [sflag:$0x2], $0x8000, $0x38;
	[tilespmem:$0x18400] =	vst v63  }
0x3a: {  	s22 =	ssub.s32 s22, s31;
	_ =	swait.ge [sflag:s18], $0x8000  }
0x3b: {  	s22 =	smax.u32 s22, $0x1;
	[sflag:s18] =	ssyncset.done $0x0  }
0x3c: {  	p0 =	sne.s32 s22, $0x1;
	[sflag:s18] =	ssyncadd.s32 $0xFFFF8000  }
.Ltmp0:
0x3d: {  	_ =	swait.ge [sflag:s18], $0x8000;
	(pc) =	sbr.rel @!p0 .LBB2_2-.Ltmp0, $4  }
0x3e: {  	[sflag:s18] =	ssyncset.done $0x0  }
0x3f: {  	[sflag:s18] =	ssyncadd.s32 $0xFFFF8000  }
0x40: {  	_ =	swait.ge [sflag:s18], $0x8000  }
0x41: {  	s22 =	sadd.s32 $0xFFFFFFFF, s22;
	[sflag:s18] =	ssyncset.done $0x0  }
.LBB2_1:
0x42: {  	p0 =	sne.s32 s22, $0x1;
	s22 =	sadd.s32 $0xFFFFFFFF, s22;
	[sflag:s18] =	ssyncadd.s32 $0xFFFF8000  }
0x43: {  	[tilespmem:s3], [sflag:$0x3] =	stream.strided.gather [hbm4b:s4+s6], $0x100, s7, s6, $0x38;
	[tilespmem:$0x18400] =	vst v63  }
0x44: {  	_ = 	snop  }
0x45: {  	[tilespmem:s8], [sflag:$0x3] =	stream.strided.gather [hbm4b:s5+s6], $0x100, s7, s6, $0x38;
	[tilespmem:$0x18400] =	vst v63  }
0x46: {  	_ = 	snop  }
0x47: {  	[tilespmem:s10], [sflag:$0x3] =	stream.strided.gather [hbm4b:s9+s6], $0x100, s7, s6, $0x38;
	[tilespmem:$0x18400] =	vst v63  }
0x48: {  	_ = 	snop  }
0x49: {  	[tilespmem:s12], [sflag:$0x3] =	stream.strided.gather [hbm4b:s11+s6], $0x100, s7, s6, $0x38;
	[tilespmem:$0x18400] =	vst v63  }
0x4a: {  	_ =	swait.ge [sflag:s13], $0x100  }
0x4b: {  	[sflag:s13] =	ssyncset.done $0x0  }
0x4c: {  	[sflag:s13] =	ssyncadd.s32 $0xFFFFFF00  }
0x4d: {  	[tilespmem:s7], [sflag:$0x1] =	stream.indirect.gather [hbm4b:s2+s8], $0x80, s3, s8, $0xb8;
	[tilespmem:$0x18400] =	vst v63  }
0x4e: {  	_ =	swait.ge [sflag:s13], $0x100  }
0x4f: {  	[sflag:s13] =	ssyncset.done $0x0  }
0x50: {  	[sflag:s13] =	ssyncadd.s32 $0xFFFFFF00  }
0x51: {  	[tilespmem:s15], [sflag:$0x1] =	stream.indirect.gather [hbm4b:s2+s8], $0x80, s8, s8, $0xb8;
	[tilespmem:$0x18400] =	vst v63  }
0x52: {  	_ =	swait.ge [sflag:s14], $0x8000  }
0x53: {  	[sflag:s14] =	ssyncset.done $0x0  }
0x54: {  	[sflag:s14] =	ssyncadd.s32 $0xFFFF8000  }
0x55: {  	[hbm4b:s16+s3] =	stream.linear.scatter [tilespmem:s7], [sflag:$0x2], $0x8000, $0x38;
	[tilespmem:$0x18400] =	vst v63  }
0x56: {  	_ =	swait.ge [sflag:s13], $0x100  }
0x57: {  	[sflag:s13] =	ssyncset.done $0x0  }
0x58: {  	[sflag:s13] =	ssyncadd.s32 $0xFFFFFF00  }
0x59: {  	[tilespmem:s17], [sflag:$0x1] =	stream.indirect.gather [hbm4b:s2+s8], $0x80, s10, s8, $0xb8;
	[tilespmem:$0x18400] =	vst v63  }
0x5a: {  	_ =	swait.ge [sflag:s14], $0x8000  }
0x5b: {  	[sflag:s14] =	ssyncset.done $0x0  }
0x5c: {  	[sflag:s14] =	ssyncadd.s32 $0xFFFF8000  }
0x5d: {  	[hbm4b:s19+s3] =	stream.linear.scatter [tilespmem:s15], [sflag:$0x2], $0x8000, $0x38;
	[tilespmem:$0x18400] =	vst v63  }
0x5e: {  	_ =	swait.ge [sflag:s18], $0x8000  }
0x5f: {  	[sflag:s18] =	ssyncset.done $0x0  }
0x60: {  	[sflag:s18] =	ssyncadd.s32 $0xFFFF8000  }
0x61: {  	_ =	swait.ge [sflag:s13], $0x100  }
0x62: {  	[sflag:s13] =	ssyncset.done $0x0  }
0x63: {  	[sflag:s13] =	ssyncadd.s32 $0xFFFFFF00  }
0x64: {  	[tilespmem:s7], [sflag:$0x1] =	stream.indirect.gather [hbm4b:s2+s8], $0x80, s12, s8, $0xb8;
	[tilespmem:$0x18400] =	vst v63  }
0x65: {  	_ =	swait.ge [sflag:s14], $0x8000  }
0x66: {  	[sflag:s14] =	ssyncset.done $0x0  }
0x67: {  	[sflag:s14] =	ssyncadd.s32 $0xFFFF8000  }
0x68: {  	[hbm4b:s20+s3] =	stream.linear.scatter [tilespmem:s17], [sflag:$0x2], $0x8000, $0x38;
	[tilespmem:$0x18400] =	vst v63  }
0x69: {  	_ =	swait.ge [sflag:s14], $0x8000  }
0x6a: {  	[sflag:s14] =	ssyncset.done $0x0  }
0x6b: {  	[sflag:s14] =	ssyncadd.s32 $0xFFFF8000  }
0x6c: {  	[hbm4b:s21+s3] =	stream.linear.scatter [tilespmem:s7], [sflag:$0x2], $0x8000, $0x38;
	[tilespmem:$0x18400] =	vst v63  }
0x6d: {  	_ =	swait.ge [sflag:s18], $0x8000  }
0x6e: {  	[sflag:s18] =	ssyncset.done $0x0  }
0x6f: {  	[sflag:s18] =	ssyncadd.s32 $0xFFFF8000  }
.Ltmp1:
0x70: {  	_ =	swait.ge [sflag:s18], $0x8000;
	(pc) =	sbr.rel @p0 .LBB2_1-.Ltmp1, $4  }
0x71: {  	[sflag:s18] =	ssyncset.done $0x0  }
0x72: {  	[sflag:s18] =	ssyncadd.s32 $0xFFFF8000  }
0x73: {  	_ =	swait.ge [sflag:s18], $0x8000  }
0x74: {  	[sflag:s18] =	ssyncset.done $0x0  }
.LBB2_2:
0x75: {  	[sflag:s18] =	ssyncadd.s32 $0xFFFF8000  }
0x76: {  	_ =	sfence.sel $0x180000  }
0x77: {  	[bflag:$0x0] =	sbarrier.arrive $0xFFFF  }
0x78: {  	p0 =	sne.s32 s0, $0x0;
	_ =	strace $0x90000047  }
0x79: {  	s0 =	sadd.s32 @!p0 $0x100000, s1;
	[bflag:$0x2] =	sbarrier.arrive $0xFFFF  }
0x7a: {  	[sflag:s0] =	ssyncadd.tile.s32 @!p0 $0x1;
	_ =	shalt  }
.Lfunc_end2:
_tile_overlayer_lowered:
.L_overlay_start_2:
0x7b: {  	(tag) =	ssettag $0x2  }
0x7c: {  	s0 =	rddreg [dreg:$0x0];
	s2 =	stileid.u32  }
0x7d: {  	s1 =	rddreg [dreg:$0x1];
	p0 =	sne.s32 s2, $0x0  }
0x7e: {  	s3 =	rddreg [dreg:$0x2];
	[bflag:$0x3] =	sbarrier.arrive $0xFFFF;
	s2 =	simm.s32 @!p0 $0x1C04  }
0x7f: {  	[timem:s3], [sflag:s2] =	dma.local @!p0 [hbm:s0], s1  }
0x80: {  	s0 =	simm.s32 @!p0 $0x4  }
0x81: {  	_ =	swait.ge @!p0 [sflag:s0], s1  }
0x82: {  	s1 =	ssub.s32 @!p0 $0x0, s1;
	[sflag:s0] =	ssyncset.done @!p0 $0x0  }
0x83: {  	[sflag:s0] =	ssyncadd.s32 @!p0 s1  }
0x84: {  	[bflag:$0x3] =	sbarrier.arrive $0xFFFF  }
0x85: {  	_ =	shalt  }

</sc_bundles>
